<compile_context>
chip_gen: v7x
topology: tpu7x:2x2x1
jax: 0.10.2.dev20260603
libtpu: 0.0.44.dev20260713+nightly
codegen_flags: <defaults>
</compile_context>

<pallas_src>
import functools
import math

import jax
import jax.numpy as jnp
from jax import lax
from jax.experimental import pallas as pl
from jax.experimental.pallas import tpu as pltpu
from jax.experimental.pallas import tpu_sc as plsc

SMOOTH = 0.1
V = 1000
N = 8192

NC, NS, L = 2, 16, 16
NW = NC * NS
ROWS_PER_W = N // NW
CH_ROWS = 8
N_CH = ROWS_PER_W // CH_ROWS
CH_ELEMS = CH_ROWS * V
NFULL = V // L
TAIL = V - NFULL * L

MASK_WORDS = 1024


def _sc_partials(tgt_flat, x_flat):
    mesh = plsc.VectorSubcoreMesh(
        core_axis_name="c", subcore_axis_name="s",
        num_cores=NC, num_subcores=NS)

    @functools.partial(
        pl.kernel,
        out_type=jax.ShapeDtypeStruct((NW, 48), jnp.float32),
        mesh=mesh,
        scratch_types=[
            pltpu.VMEM((CH_ELEMS + 2 * L,), jnp.int32),
            pltpu.VMEM((CH_ELEMS + 2 * L,), jnp.float32),
            pltpu.VMEM((MASK_WORDS,), jnp.int32),
            pltpu.VMEM((48,), jnp.float32),
        ],
        compiler_params=pltpu.CompilerParams(needs_layout_passes=False),
    )
    def k(tgt_hbm, x_hbm, out_hbm, idx_buf, x_buf, mask_buf, acc_buf):
        i32 = jnp.int32
        wid = lax.axis_index("s") * i32(NC) + lax.axis_index("c")

        lanes = lax.broadcasted_iota(jnp.int32, (L,), 0)
        tail_mask = lanes < TAIL
        zero_i = jnp.zeros((L,), jnp.int32)
        zero_f = jnp.zeros((L,), jnp.float32)
        one_f = jnp.ones((L,), jnp.float32)

        def zero_body(j, carry):
            mask_buf[pl.ds(j * i32(L), L)] = zero_i
            return carry

        lax.fori_loop(jnp.int32(0), jnp.int32(MASK_WORDS // L), zero_body, jnp.int32(0))

        def chunk_body(c, accs):
            row0 = wid * i32(ROWS_PER_W) + c * i32(CH_ROWS)
            start = row0 * i32(V)
            pltpu.sync_copy(tgt_hbm.at[pl.ds(start, CH_ELEMS)],
                            idx_buf.at[pl.ds(0, CH_ELEMS)])
            pltpu.sync_copy(x_hbm.at[pl.ds(start, CH_ELEMS)],
                            x_buf.at[pl.ds(0, CH_ELEMS)])

            def row_body(r, accs):
                base = r * i32(V)
                epoch = row0 + r + i32(1)
                epoch_vec = zero_i + epoch

                def scat_body(j, carry):
                    idxv = idx_buf[pl.ds(base + j * i32(L), L)]
                    plsc.store_scatter(mask_buf, [idxv], epoch_vec)
                    return carry

                lax.fori_loop(jnp.int32(0), jnp.int32(NFULL), scat_body, jnp.int32(0))
                idxv = idx_buf[pl.ds(base + i32(NFULL * L), L)]
                plsc.store_scatter(mask_buf, [idxv], epoch_vec,
                                   mask=tail_mask)

                def red_body(j, accs):
                    acc_cnt, acc_hit, acc_all = accs
                    m = mask_buf[pl.ds(j * i32(L), L)]
                    xv = x_buf[pl.ds(base + j * i32(L), L)]
                    hit = m == epoch_vec
                    acc_cnt = acc_cnt + jnp.where(hit, one_f, zero_f)
                    acc_hit = acc_hit + jnp.where(hit, xv, zero_f)
                    acc_all = acc_all + xv
                    return (acc_cnt, acc_hit, acc_all)

                accs = lax.fori_loop(jnp.int32(0), jnp.int32(NFULL), red_body, accs)
                acc_cnt, acc_hit, acc_all = accs
                m = mask_buf[pl.ds(NFULL * L, L)]
                xv = x_buf[pl.ds(base + i32(NFULL * L), L)]
                hit = (m == epoch_vec) & tail_mask
                xsel = jnp.where(tail_mask, xv, zero_f)
                acc_cnt = acc_cnt + jnp.where(hit, one_f, zero_f)
                acc_hit = acc_hit + jnp.where(hit, xsel, zero_f)
                acc_all = acc_all + xsel
                return (acc_cnt, acc_hit, acc_all)

            return lax.fori_loop(jnp.int32(0), jnp.int32(CH_ROWS), row_body, accs)

        acc_cnt, acc_hit, acc_all = lax.fori_loop(
            jnp.int32(0), jnp.int32(N_CH), chunk_body, (zero_f, zero_f, zero_f))

        acc_buf[pl.ds(0, L)] = acc_cnt
        acc_buf[pl.ds(L, L)] = acc_hit
        acc_buf[pl.ds(2 * L, L)] = acc_all
        pltpu.sync_copy(acc_buf, out_hbm.at[wid])

    return k(tgt_flat, x_flat)


def kernel(x, target):
    tgt_flat = target.astype(jnp.int32).reshape(-1)
    x_flat = x.reshape(-1)
    parts = _sc_partials(tgt_flat, x_flat)
    cnt = jnp.sum(parts[:, 0:16])
    s_hit = jnp.sum(parts[:, 16:32])
    s_all = jnp.sum(parts[:, 32:48])
    w = SMOOTH / V
    q = 1.0 - SMOOTH
    lw = math.log(w)
    lq = math.log(q)
    loss = (jnp.float32(N * V * w * lw)
            - jnp.float32(w) * s_all
            + cnt * jnp.float32(q * lq - w * lw)
            - jnp.float32(q - w) * s_hit)
    return loss.astype(jnp.float32)

# --- scband reference (transcript-rebuilt; emitter-appended) ---
"""Pipeline reference for scband-label-smoothing-72825465471526 (READ-ONLY COPY).

The authoritative reference and input builder live on the scoring server;
editing this copy changes nothing except your own understanding.
"""

import jax, jax.numpy as jnp
import numpy as np
jax.config.update("jax_enable_x64", True)

SMOOTHING = 0.1
VOCAB = 1000
N = 8192

def setup_inputs(seed: int = 0) -> dict:
    key = jax.random.key(seed)
    k1, k2 = jax.random.split(key)
    x = jax.random.normal(k1, (N, VOCAB), dtype=jnp.float32)
    target = jax.random.randint(k2, (N, VOCAB), 0, VOCAB, dtype=jnp.int64)
    return {"x": x, "target": target}

def reference(x, target):
    # Faithful translation of LabelSmoothing.forward:
    #   smooth_target = zeros(target.size()).fill_(smoothing / x.size(-1))
    #   smooth_target.scatter_(-1, target, 1 - smoothing)
    #   KLDivLoss(reduction='sum')(x, smooth_target)
    V = x.shape[-1]
    smooth_target = jnp.full(target.shape, SMOOTHING / V, dtype=jnp.float32)
    rows = jnp.arange(target.shape[0])[:, None]
    # scatter-overwrite along last dim (duplicate indices all write the same value)
    smooth_target = smooth_target.at[rows, target].set(1.0 - SMOOTHING)
    # KLDivLoss(reduction='sum'): sum over target * (log(target) - input); target > 0 everywhere here
    loss = jnp.sum(smooth_target * (jnp.log(smooth_target) - x))
    return loss

if __name__ == "__main__":
    import jax
    _d = setup_inputs()
    print(jax.jit(kernel)(*tuple(_d.values())))

</pallas_src>

<mosaic_0001>
#map = affine_map<(d0, d1) -> (0)>
#map1 = affine_map<(d0, d1) -> (0, 0)>
module attributes {stable_mosaic.version = 14 : i64} {
  func.func @k(%arg0: i32, %arg1: i32, %arg2: memref<8192000xi32, #tpu.memory_space<hbm>>, %arg3: memref<8192000xf32, #tpu.memory_space<hbm>>, %arg4: memref<32x48xf32, #tpu.memory_space<hbm>>, %arg5: memref<8032xi32, #tpu.memory_space<vmem>>, %arg6: memref<8032xf32, #tpu.memory_space<vmem>>, %arg7: memref<1024xi32, #tpu.memory_space<vmem>>, %arg8: memref<48xf32, #tpu.memory_space<vmem>>) attributes {dimension_semantics = [#tpu.dimension_semantics<core_parallel>, #tpu.dimension_semantics<subcore_parallel>], iteration_bounds = array<i64: 2, 16>, scalar_prefetch = 0 : i64, scratch_operands = 4 : i64, tpu.core_type = #tpu.core_type<sc_vector_subcore>, window_params = [{transform_indices = #map}, {transform_indices = #map}, {transform_indices = #map1}]} {
    %mul3A = arith.constant 2 : i32
    %mul3A_0 = arith.muli %arg1, %mul3A : i32
    %add3A = arith.addi %mul3A_0, %arg0 : i32
    %iota3A = tpu.iota {dimensions = array<i32: 0>} : vector<16xi32>
    %lt3A = arith.constant 8 : i32
    %lt3A_1 = vector.broadcast %lt3A : i32 to vector<16xi32>
    %lt3A_2 = arith.cmpi slt, %iota3A, %lt3A_1 : vector<16xi32>
    %broadcast_in_dim3A = arith.constant 0 : i32
    %broadcast_in_dim3A_3 = vector.broadcast %broadcast_in_dim3A : i32 to vector<16xi32>
    %broadcast_in_dim3A_4 = arith.constant 0.000000e+00 : f32
    %broadcast_in_dim3A_5 = vector.broadcast %broadcast_in_dim3A_4 : f32 to vector<16xf32>
    %broadcast_in_dim3A_6 = arith.constant 1.000000e+00 : f32
    %broadcast_in_dim3A_7 = vector.broadcast %broadcast_in_dim3A_6 : f32 to vector<16xf32>
    %while3A = arith.constant 0 : i32
    %while3A_8 = arith.constant 0 : i32
    %while3A_9 = arith.constant 64 : i32
    %while3A_10 = arith.subi %while3A_9, %while3A_8 : i32
    %while3A_11 = arith.addi %while3A_8, %while3A_10 : i32
    %while3A_12 = arith.constant 1 : i32
    %while3A_13 = arith.divsi %while3A_10, %while3A_12 : i32
    %while3A_14 = arith.muli %while3A_13, %while3A_12 : i32
    %while3A_15 = arith.addi %while3A_8, %while3A_14 : i32
    %while3A_16 = arith.constant 1 : i32
    scf.for %while3A_35 = %while3A_8 to %while3A_15 step %while3A_16  : i32 {
      %mul3A_36 = arith.constant 16 : i32
      %mul3A_37 = arith.muli %while3A_35, %mul3A_36 : i32
      %swap3A_38 = arith.index_cast %mul3A_37 : i32 to index
      %swap3A_39 = tpu.vector_load %arg7[%swap3A_38] {strides = array<i32>} : memref<1024xi32, #tpu.memory_space<vmem>>, vector<16xi32>,
      tpu.vector_store %arg7[%swap3A_38], %broadcast_in_dim3A_3 {strides = array<i32>} : memref<1024xi32, #tpu.memory_space<vmem>>, vector<16xi32>,
    }
    %while3A_17 = arith.constant 1 : i32
    scf.for %while3A_35 = %while3A_15 to %while3A_11 step %while3A_17  : i32 {
      %mul3A_36 = arith.constant 16 : i32
      %mul3A_37 = arith.muli %while3A_35, %mul3A_36 : i32
      %swap3A_38 = arith.index_cast %mul3A_37 : i32 to index
      %swap3A_39 = tpu.vector_load %arg7[%swap3A_38] {strides = array<i32>} : memref<1024xi32, #tpu.memory_space<vmem>>, vector<16xi32>,
      tpu.vector_store %arg7[%swap3A_38], %broadcast_in_dim3A_3 {strides = array<i32>} : memref<1024xi32, #tpu.memory_space<vmem>>, vector<16xi32>,
    }
    %while3A_18 = arith.constant 0 : i32
    %while3A_19 = arith.constant 32 : i32
    %while3A_20 = arith.subi %while3A_19, %while3A_18 : i32
    %while3A_21 = arith.addi %while3A_18, %while3A_20 : i32
    %while3A_22 = arith.constant 1 : i32
    %while3A_23 = arith.divsi %while3A_20, %while3A_22 : i32
    %while3A_24 = arith.muli %while3A_23, %while3A_22 : i32
    %while3A_25 = arith.addi %while3A_18, %while3A_24 : i32
    %while3A_26 = arith.constant 1 : i32
    %while3A_27:3 = scf.for %while3A_35 = %while3A_18 to %while3A_25 step %while3A_26 iter_args(%while3A_36 = %broadcast_in_dim3A_5, %while3A_37 = %broadcast_in_dim3A_5, %while3A_38 = %broadcast_in_dim3A_5) -> (vector<16xf32>, vector<16xf32>, vector<16xf32>)  : i32 {
      %mul3A_39 = arith.constant 256 : i32
      %mul3A_40 = arith.muli %add3A, %mul3A_39 : i32
      %mul3A_41 = arith.constant 8 : i32
      %mul3A_42 = arith.muli %while3A_35, %mul3A_41 : i32
      %add3A_43 = arith.addi %mul3A_40, %mul3A_42 : i32
      %mul3A_44 = arith.constant 1000 : i32
      %mul3A_45 = arith.muli %add3A_43, %mul3A_44 : i32
      "tpu.region"() ({
        %run_scoped3A = tpu.sem_alloc : memref<!tpu.dma_semaphore, #tpu.memory_space<semaphore_mem>>
        %dma_start3A = arith.constant 0 : i32
        %dma_start3A_58 = tpu.memref_slice %arg5[%dma_start3A] : memref<8032xi32, #tpu.memory_space<vmem>> -> memref<8000xi32, #tpu.memory_space<vmem>>
        %dma_start3A_59 = tpu.memref_slice %arg2[%mul3A_45] : memref<8192000xi32, #tpu.memory_space<hbm>> -> memref<8000xi32, #tpu.memory_space<hbm>>
        %dma_start3A_60 = arith.constant 0 : i32
        %dma_start3A_61 = tpu.memref_slice %arg5[%dma_start3A_60] : memref<8032xi32, #tpu.memory_space<vmem>> -> memref<8000xi32, #tpu.memory_space<vmem>>
        %dma_start3A_62 = tpu.memref_slice %arg2[%mul3A_45] : memref<8192000xi32, #tpu.memory_space<hbm>> -> memref<8000xi32, #tpu.memory_space<hbm>>
        tpu.enqueue_dma source(%dma_start3A_62 : memref<8000xi32, #tpu.memory_space<hbm>>) target(%dma_start3A_61 : memref<8000xi32, #tpu.memory_space<vmem>>) target_semaphore(%run_scoped3A : memref<!tpu.dma_semaphore, #tpu.memory_space<semaphore_mem>>)
        %dma_wait3A = arith.constant 0 : i32
        %dma_wait3A_63 = tpu.memref_slice %arg5[%dma_wait3A] : memref<8032xi32, #tpu.memory_space<vmem>> -> memref<8000xi32, #tpu.memory_space<vmem>>
        %dma_wait3A_64 = tpu.memref_slice %arg2[%mul3A_45] : memref<8192000xi32, #tpu.memory_space<hbm>> -> memref<8000xi32, #tpu.memory_space<hbm>>
        %dma_wait3A_65 = arith.constant 0 : i32
        %dma_wait3A_66 = tpu.memref_slice %arg5[%dma_wait3A_65] : memref<8032xi32, #tpu.memory_space<vmem>> -> memref<8000xi32, #tpu.memory_space<vmem>>
        %dma_wait3A_67 = tpu.memref_slice %arg2[%mul3A_45] : memref<8192000xi32, #tpu.memory_space<hbm>> -> memref<8000xi32, #tpu.memory_space<hbm>>
        tpu.wait_dma2 semaphore(%run_scoped3A : memref<!tpu.dma_semaphore, #tpu.memory_space<semaphore_mem>>) src(%dma_wait3A_67 : memref<8000xi32, #tpu.memory_space<hbm>>) dst(%dma_wait3A_66 : memref<8000xi32, #tpu.memory_space<vmem>>)
        tpu.yield
      }) : () -> ()
      "tpu.region"() ({
        %run_scoped3A = tpu.sem_alloc : memref<!tpu.dma_semaphore, #tpu.memory_space<semaphore_mem>>
        %dma_start3A = arith.constant 0 : i32
        %dma_start3A_58 = tpu.memref_slice %arg6[%dma_start3A] : memref<8032xf32, #tpu.memory_space<vmem>> -> memref<8000xf32, #tpu.memory_space<vmem>>
        %dma_start3A_59 = tpu.memref_slice %arg3[%mul3A_45] : memref<8192000xf32, #tpu.memory_space<hbm>> -> memref<8000xf32, #tpu.memory_space<hbm>>
        %dma_start3A_60 = arith.constant 0 : i32
        %dma_start3A_61 = tpu.memref_slice %arg6[%dma_start3A_60] : memref<8032xf32, #tpu.memory_space<vmem>> -> memref<8000xf32, #tpu.memory_space<vmem>>
        %dma_start3A_62 = tpu.memref_slice %arg3[%mul3A_45] : memref<8192000xf32, #tpu.memory_space<hbm>> -> memref<8000xf32, #tpu.memory_space<hbm>>
        tpu.enqueue_dma source(%dma_start3A_62 : memref<8000xf32, #tpu.memory_space<hbm>>) target(%dma_start3A_61 : memref<8000xf32, #tpu.memory_space<vmem>>) target_semaphore(%run_scoped3A : memref<!tpu.dma_semaphore, #tpu.memory_space<semaphore_mem>>)
        %dma_wait3A = arith.constant 0 : i32
        %dma_wait3A_63 = tpu.memref_slice %arg6[%dma_wait3A] : memref<8032xf32, #tpu.memory_space<vmem>> -> memref<8000xf32, #tpu.memory_space<vmem>>
        %dma_wait3A_64 = tpu.memref_slice %arg3[%mul3A_45] : memref<8192000xf32, #tpu.memory_space<hbm>> -> memref<8000xf32, #tpu.memory_space<hbm>>
        %dma_wait3A_65 = arith.constant 0 : i32
        %dma_wait3A_66 = tpu.memref_slice %arg6[%dma_wait3A_65] : memref<8032xf32, #tpu.memory_space<vmem>> -> memref<8000xf32, #tpu.memory_space<vmem>>
        %dma_wait3A_67 = tpu.memref_slice %arg3[%mul3A_45] : memref<8192000xf32, #tpu.memory_space<hbm>> -> memref<8000xf32, #tpu.memory_space<hbm>>
        tpu.wait_dma2 semaphore(%run_scoped3A : memref<!tpu.dma_semaphore, #tpu.memory_space<semaphore_mem>>) src(%dma_wait3A_67 : memref<8000xf32, #tpu.memory_space<hbm>>) dst(%dma_wait3A_66 : memref<8000xf32, #tpu.memory_space<vmem>>)
        tpu.yield
      }) : () -> ()
      %while3A_46 = arith.constant 0 : i32
      %while3A_47 = arith.constant 8 : i32
      %while3A_48 = arith.subi %while3A_47, %while3A_46 : i32
      %while3A_49 = arith.addi %while3A_46, %while3A_48 : i32
      %while3A_50 = arith.constant 1 : i32
      %while3A_51 = arith.divsi %while3A_48, %while3A_50 : i32
      %while3A_52 = arith.muli %while3A_51, %while3A_50 : i32
      %while3A_53 = arith.addi %while3A_46, %while3A_52 : i32
      %while3A_54 = arith.constant 1 : i32
      %while3A_55:3 = scf.for %while3A_58 = %while3A_46 to %while3A_53 step %while3A_54 iter_args(%while3A_59 = %while3A_36, %while3A_60 = %while3A_37, %while3A_61 = %while3A_38) -> (vector<16xf32>, vector<16xf32>, vector<16xf32>)  : i32 {
        %mul3A_62 = arith.constant 1000 : i32
        %mul3A_63 = arith.muli %while3A_58, %mul3A_62 : i32
        %add3A_64 = arith.addi %add3A_43, %while3A_58 : i32
        %add3A_65 = arith.constant 1 : i32
        %add3A_66 = arith.addi %add3A_64, %add3A_65 : i32
        %add3A_67 = vector.broadcast %add3A_66 : i32 to vector<16xi32>
        %add3A_68 = arith.addi %broadcast_in_dim3A_3, %add3A_67 : vector<16xi32>
        %while3A_69 = arith.constant 0 : i32
        %while3A_70 = arith.constant 0 : i32
        %while3A_71 = arith.constant 62 : i32
        %while3A_72 = arith.subi %while3A_71, %while3A_70 : i32
        %while3A_73 = arith.addi %while3A_70, %while3A_72 : i32
        %while3A_74 = arith.constant 1 : i32
        %while3A_75 = arith.divsi %while3A_72, %while3A_74 : i32
        %while3A_76 = arith.muli %while3A_75, %while3A_74 : i32
        %while3A_77 = arith.addi %while3A_70, %while3A_76 : i32
        %while3A_78 = arith.constant 1 : i32
        scf.for %while3A_106 = %while3A_70 to %while3A_77 step %while3A_78  : i32 {
          %mul3A_107 = arith.constant 16 : i32
          %mul3A_108 = arith.muli %while3A_106, %mul3A_107 : i32
          %add3A_109 = arith.addi %mul3A_63, %mul3A_108 : i32
          %get3A_110 = arith.index_cast %add3A_109 : i32 to index
          %get3A_111 = tpu.vector_load %arg5[%get3A_110] {strides = array<i32>} : memref<8032xi32, #tpu.memory_space<vmem>>, vector<16xi32>,
          tpu.vector_store_idx %arg7[%get3A_111], %add3A_68 : memref<1024xi32, #tpu.memory_space<vmem>>[vector<16xi32>], vector<16xi32>,
        }
        %while3A_79 = arith.constant 1 : i32
        scf.for %while3A_106 = %while3A_77 to %while3A_73 step %while3A_79  : i32 {
          %mul3A_107 = arith.constant 16 : i32
          %mul3A_108 = arith.muli %while3A_106, %mul3A_107 : i32
          %add3A_109 = arith.addi %mul3A_63, %mul3A_108 : i32
          %get3A_110 = arith.index_cast %add3A_109 : i32 to index
          %get3A_111 = tpu.vector_load %arg5[%get3A_110] {strides = array<i32>} : memref<8032xi32, #tpu.memory_space<vmem>>, vector<16xi32>,
          tpu.vector_store_idx %arg7[%get3A_111], %add3A_68 : memref<1024xi32, #tpu.memory_space<vmem>>[vector<16xi32>], vector<16xi32>,
        }
        %add3A_80 = arith.constant 992 : i32
        %add3A_81 = arith.addi %mul3A_63, %add3A_80 : i32
        %get3A = arith.index_cast %add3A_81 : i32 to index
        %get3A_82 = tpu.vector_load %arg5[%get3A] {strides = array<i32>} : memref<8032xi32, #tpu.memory_space<vmem>>, vector<16xi32>,
        tpu.vector_store_idx %arg7[%get3A_82], %add3A_68 masked %lt3A_2 : memref<1024xi32, #tpu.memory_space<vmem>>[vector<16xi32>], vector<16xi32>, vector<16xi1>
        %while3A_83 = arith.constant 0 : i32
        %while3A_84 = arith.constant 62 : i32
        %while3A_85 = arith.subi %while3A_84, %while3A_83 : i32
        %while3A_86 = arith.addi %while3A_83, %while3A_85 : i32
        %while3A_87 = arith.constant 1 : i32
        %while3A_88 = arith.divsi %while3A_85, %while3A_87 : i32
        %while3A_89 = arith.muli %while3A_88, %while3A_87 : i32
        %while3A_90 = arith.addi %while3A_83, %while3A_89 : i32
        %while3A_91 = arith.constant 1 : i32
        %while3A_92:3 = scf.for %while3A_106 = %while3A_83 to %while3A_90 step %while3A_91 iter_args(%while3A_107 = %while3A_59, %while3A_108 = %while3A_60, %while3A_109 = %while3A_61) -> (vector<16xf32>, vector<16xf32>, vector<16xf32>)  : i32 {
          %mul3A_110 = arith.constant 16 : i32
          %mul3A_111 = arith.muli %while3A_106, %mul3A_110 : i32
          %get3A_112 = arith.index_cast %mul3A_111 : i32 to index
          %get3A_113 = tpu.vector_load %arg7[%get3A_112] {strides = array<i32>} : memref<1024xi32, #tpu.memory_space<vmem>>, vector<16xi32>,
          %mul3A_114 = arith.constant 16 : i32
          %mul3A_115 = arith.muli %while3A_106, %mul3A_114 : i32
          %add3A_116 = arith.addi %mul3A_63, %mul3A_115 : i32
          %get3A_117 = arith.index_cast %add3A_116 : i32 to index
          %get3A_118 = tpu.vector_load %arg6[%get3A_117] {strides = array<i32>} : memref<8032xf32, #tpu.memory_space<vmem>>, vector<16xf32>,
          %eq3A_119 = arith.cmpi eq, %get3A_113, %add3A_68 : vector<16xi32>
          %select_n3A_120 = arith.select %eq3A_119, %broadcast_in_dim3A_7, %broadcast_in_dim3A_5 : vector<16xi1>, vector<16xf32>
          %add3A_121 = arith.addf %while3A_107, %select_n3A_120 : vector<16xf32>
          %select_n3A_122 = arith.select %eq3A_119, %get3A_118, %broadcast_in_dim3A_5 : vector<16xi1>, vector<16xf32>
          %add3A_123 = arith.addf %while3A_108, %select_n3A_122 : vector<16xf32>
          %add3A_124 = arith.addf %while3A_109, %get3A_118 : vector<16xf32>
          scf.yield %add3A_121, %add3A_123, %add3A_124 : vector<16xf32>, vector<16xf32>, vector<16xf32>
        }
        %while3A_93 = arith.constant 1 : i32
        %while3A_94:3 = scf.for %while3A_106 = %while3A_90 to %while3A_86 step %while3A_93 iter_args(%while3A_107 = %while3A_92#0, %while3A_108 = %while3A_92#1, %while3A_109 = %while3A_92#2) -> (vector<16xf32>, vector<16xf32>, vector<16xf32>)  : i32 {
          %mul3A_110 = arith.constant 16 : i32
          %mul3A_111 = arith.muli %while3A_106, %mul3A_110 : i32
          %get3A_112 = arith.index_cast %mul3A_111 : i32 to index
          %get3A_113 = tpu.vector_load %arg7[%get3A_112] {strides = array<i32>} : memref<1024xi32, #tpu.memory_space<vmem>>, vector<16xi32>,
          %mul3A_114 = arith.constant 16 : i32
          %mul3A_115 = arith.muli %while3A_106, %mul3A_114 : i32
          %add3A_116 = arith.addi %mul3A_63, %mul3A_115 : i32
          %get3A_117 = arith.index_cast %add3A_116 : i32 to index
          %get3A_118 = tpu.vector_load %arg6[%get3A_117] {strides = array<i32>} : memref<8032xf32, #tpu.memory_space<vmem>>, vector<16xf32>,
          %eq3A_119 = arith.cmpi eq, %get3A_113, %add3A_68 : vector<16xi32>
          %select_n3A_120 = arith.select %eq3A_119, %broadcast_in_dim3A_7, %broadcast_in_dim3A_5 : vector<16xi1>, vector<16xf32>
          %add3A_121 = arith.addf %while3A_107, %select_n3A_120 : vector<16xf32>
          %select_n3A_122 = arith.select %eq3A_119, %get3A_118, %broadcast_in_dim3A_5 : vector<16xi1>, vector<16xf32>
          %add3A_123 = arith.addf %while3A_108, %select_n3A_122 : vector<16xf32>
          %add3A_124 = arith.addf %while3A_109, %get3A_118 : vector<16xf32>
          scf.yield %add3A_121, %add3A_123, %add3A_124 : vector<16xf32>, vector<16xf32>, vector<16xf32>
        }
        %get3A_95 = arith.constant 992 : index
        %get3A_96 = tpu.vector_load %arg7[%get3A_95] {strides = array<i32>} : memref<1024xi32, #tpu.memory_space<vmem>>, vector<16xi32>,
        %add3A_97 = arith.constant 992 : i32
        %add3A_98 = arith.addi %mul3A_63, %add3A_97 : i32
        %get3A_99 = arith.index_cast %add3A_98 : i32 to index
        %get3A_100 = tpu.vector_load %arg6[%get3A_99] {strides = array<i32>} : memref<8032xf32, #tpu.memory_space<vmem>>, vector<16xf32>,
        %eq3A = arith.cmpi eq, %get3A_96, %add3A_68 : vector<16xi32>
        %and3A = arith.andi %eq3A, %lt3A_2 : vector<16xi1>
        %select_n3A = arith.select %lt3A_2, %get3A_100, %broadcast_in_dim3A_5 : vector<16xi1>, vector<16xf32>
        %select_n3A_101 = arith.select %and3A, %broadcast_in_dim3A_7, %broadcast_in_dim3A_5 : vector<16xi1>, vector<16xf32>
        %add3A_102 = arith.addf %while3A_94#0, %select_n3A_101 : vector<16xf32>
        %select_n3A_103 = arith.select %and3A, %select_n3A, %broadcast_in_dim3A_5 : vector<16xi1>, vector<16xf32>
        %add3A_104 = arith.addf %while3A_94#1, %select_n3A_103 : vector<16xf32>
        %add3A_105 = arith.addf %while3A_94#2, %select_n3A : vector<16xf32>
        scf.yield %add3A_102, %add3A_104, %add3A_105 : vector<16xf32>, vector<16xf32>, vector<16xf32>
      }
      %while3A_56 = arith.constant 1 : i32
      %while3A_57:3 = scf.for %while3A_58 = %while3A_53 to %while3A_49 step %while3A_56 iter_args(%while3A_59 = %while3A_55#0, %while3A_60 = %while3A_55#1, %while3A_61 = %while3A_55#2) -> (vector<16xf32>, vector<16xf32>, vector<16xf32>)  : i32 {
        %mul3A_62 = arith.constant 1000 : i32
        %mul3A_63 = arith.muli %while3A_58, %mul3A_62 : i32
        %add3A_64 = arith.addi %add3A_43, %while3A_58 : i32
        %add3A_65 = arith.constant 1 : i32
        %add3A_66 = arith.addi %add3A_64, %add3A_65 : i32
        %add3A_67 = vector.broadcast %add3A_66 : i32 to vector<16xi32>
        %add3A_68 = arith.addi %broadcast_in_dim3A_3, %add3A_67 : vector<16xi32>
        %while3A_69 = arith.constant 0 : i32
        %while3A_70 = arith.constant 0 : i32
        %while3A_71 = arith.constant 62 : i32
        %while3A_72 = arith.subi %while3A_71, %while3A_70 : i32
        %while3A_73 = arith.addi %while3A_70, %while3A_72 : i32
        %while3A_74 = arith.constant 1 : i32
        %while3A_75 = arith.divsi %while3A_72, %while3A_74 : i32
        %while3A_76 = arith.muli %while3A_75, %while3A_74 : i32
        %while3A_77 = arith.addi %while3A_70, %while3A_76 : i32
        %while3A_78 = arith.constant 1 : i32
        scf.for %while3A_106 = %while3A_70 to %while3A_77 step %while3A_78  : i32 {
          %mul3A_107 = arith.constant 16 : i32
          %mul3A_108 = arith.muli %while3A_106, %mul3A_107 : i32
          %add3A_109 = arith.addi %mul3A_63, %mul3A_108 : i32
          %get3A_110 = arith.index_cast %add3A_109 : i32 to index
          %get3A_111 = tpu.vector_load %arg5[%get3A_110] {strides = array<i32>} : memref<8032xi32, #tpu.memory_space<vmem>>, vector<16xi32>,
          tpu.vector_store_idx %arg7[%get3A_111], %add3A_68 : memref<1024xi32, #tpu.memory_space<vmem>>[vector<16xi32>], vector<16xi32>,
        }
        %while3A_79 = arith.constant 1 : i32
        scf.for %while3A_106 = %while3A_77 to %while3A_73 step %while3A_79  : i32 {
          %mul3A_107 = arith.constant 16 : i32
          %mul3A_108 = arith.muli %while3A_106, %mul3A_107 : i32
          %add3A_109 = arith.addi %mul3A_63, %mul3A_108 : i32
          %get3A_110 = arith.index_cast %add3A_109 : i32 to index
          %get3A_111 = tpu.vector_load %arg5[%get3A_110] {strides = array<i32>} : memref<8032xi32, #tpu.memory_space<vmem>>, vector<16xi32>,
          tpu.vector_store_idx %arg7[%get3A_111], %add3A_68 : memref<1024xi32, #tpu.memory_space<vmem>>[vector<16xi32>], vector<16xi32>,
        }
        %add3A_80 = arith.constant 992 : i32
        %add3A_81 = arith.addi %mul3A_63, %add3A_80 : i32
        %get3A = arith.index_cast %add3A_81 : i32 to index
        %get3A_82 = tpu.vector_load %arg5[%get3A] {strides = array<i32>} : memref<8032xi32, #tpu.memory_space<vmem>>, vector<16xi32>,
        tpu.vector_store_idx %arg7[%get3A_82], %add3A_68 masked %lt3A_2 : memref<1024xi32, #tpu.memory_space<vmem>>[vector<16xi32>], vector<16xi32>, vector<16xi1>
        %while3A_83 = arith.constant 0 : i32
        %while3A_84 = arith.constant 62 : i32
        %while3A_85 = arith.subi %while3A_84, %while3A_83 : i32
        %while3A_86 = arith.addi %while3A_83, %while3A_85 : i32
        %while3A_87 = arith.constant 1 : i32
        %while3A_88 = arith.divsi %while3A_85, %while3A_87 : i32
        %while3A_89 = arith.muli %while3A_88, %while3A_87 : i32
        %while3A_90 = arith.addi %while3A_83, %while3A_89 : i32
        %while3A_91 = arith.constant 1 : i32
        %while3A_92:3 = scf.for %while3A_106 = %while3A_83 to %while3A_90 step %while3A_91 iter_args(%while3A_107 = %while3A_59, %while3A_108 = %while3A_60, %while3A_109 = %while3A_61) -> (vector<16xf32>, vector<16xf32>, vector<16xf32>)  : i32 {
          %mul3A_110 = arith.constant 16 : i32
          %mul3A_111 = arith.muli %while3A_106, %mul3A_110 : i32
          %get3A_112 = arith.index_cast %mul3A_111 : i32 to index
          %get3A_113 = tpu.vector_load %arg7[%get3A_112] {strides = array<i32>} : memref<1024xi32, #tpu.memory_space<vmem>>, vector<16xi32>,
          %mul3A_114 = arith.constant 16 : i32
          %mul3A_115 = arith.muli %while3A_106, %mul3A_114 : i32
          %add3A_116 = arith.addi %mul3A_63, %mul3A_115 : i32
          %get3A_117 = arith.index_cast %add3A_116 : i32 to index
          %get3A_118 = tpu.vector_load %arg6[%get3A_117] {strides = array<i32>} : memref<8032xf32, #tpu.memory_space<vmem>>, vector<16xf32>,
          %eq3A_119 = arith.cmpi eq, %get3A_113, %add3A_68 : vector<16xi32>
          %select_n3A_120 = arith.select %eq3A_119, %broadcast_in_dim3A_7, %broadcast_in_dim3A_5 : vector<16xi1>, vector<16xf32>
          %add3A_121 = arith.addf %while3A_107, %select_n3A_120 : vector<16xf32>
          %select_n3A_122 = arith.select %eq3A_119, %get3A_118, %broadcast_in_dim3A_5 : vector<16xi1>, vector<16xf32>
          %add3A_123 = arith.addf %while3A_108, %select_n3A_122 : vector<16xf32>
          %add3A_124 = arith.addf %while3A_109, %get3A_118 : vector<16xf32>
          scf.yield %add3A_121, %add3A_123, %add3A_124 : vector<16xf32>, vector<16xf32>, vector<16xf32>
        }
        %while3A_93 = arith.constant 1 : i32
        %while3A_94:3 = scf.for %while3A_106 = %while3A_90 to %while3A_86 step %while3A_93 iter_args(%while3A_107 = %while3A_92#0, %while3A_108 = %while3A_92#1, %while3A_109 = %while3A_92#2) -> (vector<16xf32>, vector<16xf32>, vector<16xf32>)  : i32 {
          %mul3A_110 = arith.constant 16 : i32
          %mul3A_111 = arith.muli %while3A_106, %mul3A_110 : i32
          %get3A_112 = arith.index_cast %mul3A_111 : i32 to index
          %get3A_113 = tpu.vector_load %arg7[%get3A_112] {strides = array<i32>} : memref<1024xi32, #tpu.memory_space<vmem>>, vector<16xi32>,
          %mul3A_114 = arith.constant 16 : i32
          %mul3A_115 = arith.muli %while3A_106, %mul3A_114 : i32
          %add3A_116 = arith.addi %mul3A_63, %mul3A_115 : i32
          %get3A_117 = arith.index_cast %add3A_116 : i32 to index
          %get3A_118 = tpu.vector_load %arg6[%get3A_117] {strides = array<i32>} : memref<8032xf32, #tpu.memory_space<vmem>>, vector<16xf32>,
          %eq3A_119 = arith.cmpi eq, %get3A_113, %add3A_68 : vector<16xi32>
          %select_n3A_120 = arith.select %eq3A_119, %broadcast_in_dim3A_7, %broadcast_in_dim3A_5 : vector<16xi1>, vector<16xf32>
          %add3A_121 = arith.addf %while3A_107, %select_n3A_120 : vector<16xf32>
          %select_n3A_122 = arith.select %eq3A_119, %get3A_118, %broadcast_in_dim3A_5 : vector<16xi1>, vector<16xf32>
          %add3A_123 = arith.addf %while3A_108, %select_n3A_122 : vector<16xf32>
          %add3A_124 = arith.addf %while3A_109, %get3A_118 : vector<16xf32>
          scf.yield %add3A_121, %add3A_123, %add3A_124 : vector<16xf32>, vector<16xf32>, vector<16xf32>
        }
        %get3A_95 = arith.constant 992 : index
        %get3A_96 = tpu.vector_load %arg7[%get3A_95] {strides = array<i32>} : memref<1024xi32, #tpu.memory_space<vmem>>, vector<16xi32>,
        %add3A_97 = arith.constant 992 : i32
        %add3A_98 = arith.addi %mul3A_63, %add3A_97 : i32
        %get3A_99 = arith.index_cast %add3A_98 : i32 to index
        %get3A_100 = tpu.vector_load %arg6[%get3A_99] {strides = array<i32>} : memref<8032xf32, #tpu.memory_space<vmem>>, vector<16xf32>,
        %eq3A = arith.cmpi eq, %get3A_96, %add3A_68 : vector<16xi32>
        %and3A = arith.andi %eq3A, %lt3A_2 : vector<16xi1>
        %select_n3A = arith.select %lt3A_2, %get3A_100, %broadcast_in_dim3A_5 : vector<16xi1>, vector<16xf32>
        %select_n3A_101 = arith.select %and3A, %broadcast_in_dim3A_7, %broadcast_in_dim3A_5 : vector<16xi1>, vector<16xf32>
        %add3A_102 = arith.addf %while3A_94#0, %select_n3A_101 : vector<16xf32>
        %select_n3A_103 = arith.select %and3A, %select_n3A, %broadcast_in_dim3A_5 : vector<16xi1>, vector<16xf32>
        %add3A_104 = arith.addf %while3A_94#1, %select_n3A_103 : vector<16xf32>
        %add3A_105 = arith.addf %while3A_94#2, %select_n3A : vector<16xf32>
        scf.yield %add3A_102, %add3A_104, %add3A_105 : vector<16xf32>, vector<16xf32>, vector<16xf32>
      }
      scf.yield %while3A_57#0, %while3A_57#1, %while3A_57#2 : vector<16xf32>, vector<16xf32>, vector<16xf32>
    }
    %while3A_28 = arith.constant 1 : i32
    %while3A_29:3 = scf.for %while3A_35 = %while3A_25 to %while3A_21 step %while3A_28 iter_args(%while3A_36 = %while3A_27#0, %while3A_37 = %while3A_27#1, %while3A_38 = %while3A_27#2) -> (vector<16xf32>, vector<16xf32>, vector<16xf32>)  : i32 {
      %mul3A_39 = arith.constant 256 : i32
      %mul3A_40 = arith.muli %add3A, %mul3A_39 : i32
      %mul3A_41 = arith.constant 8 : i32
      %mul3A_42 = arith.muli %while3A_35, %mul3A_41 : i32
      %add3A_43 = arith.addi %mul3A_40, %mul3A_42 : i32
      %mul3A_44 = arith.constant 1000 : i32
      %mul3A_45 = arith.muli %add3A_43, %mul3A_44 : i32
      "tpu.region"() ({
        %run_scoped3A = tpu.sem_alloc : memref<!tpu.dma_semaphore, #tpu.memory_space<semaphore_mem>>
        %dma_start3A = arith.constant 0 : i32
        %dma_start3A_58 = tpu.memref_slice %arg5[%dma_start3A] : memref<8032xi32, #tpu.memory_space<vmem>> -> memref<8000xi32, #tpu.memory_space<vmem>>
        %dma_start3A_59 = tpu.memref_slice %arg2[%mul3A_45] : memref<8192000xi32, #tpu.memory_space<hbm>> -> memref<8000xi32, #tpu.memory_space<hbm>>
        %dma_start3A_60 = arith.constant 0 : i32
        %dma_start3A_61 = tpu.memref_slice %arg5[%dma_start3A_60] : memref<8032xi32, #tpu.memory_space<vmem>> -> memref<8000xi32, #tpu.memory_space<vmem>>
        %dma_start3A_62 = tpu.memref_slice %arg2[%mul3A_45] : memref<8192000xi32, #tpu.memory_space<hbm>> -> memref<8000xi32, #tpu.memory_space<hbm>>
        tpu.enqueue_dma source(%dma_start3A_62 : memref<8000xi32, #tpu.memory_space<hbm>>) target(%dma_start3A_61 : memref<8000xi32, #tpu.memory_space<vmem>>) target_semaphore(%run_scoped3A : memref<!tpu.dma_semaphore, #tpu.memory_space<semaphore_mem>>)
        %dma_wait3A = arith.constant 0 : i32
        %dma_wait3A_63 = tpu.memref_slice %arg5[%dma_wait3A] : memref<8032xi32, #tpu.memory_space<vmem>> -> memref<8000xi32, #tpu.memory_space<vmem>>
        %dma_wait3A_64 = tpu.memref_slice %arg2[%mul3A_45] : memref<8192000xi32, #tpu.memory_space<hbm>> -> memref<8000xi32, #tpu.memory_space<hbm>>
        %dma_wait3A_65 = arith.constant 0 : i32
        %dma_wait3A_66 = tpu.memref_slice %arg5[%dma_wait3A_65] : memref<8032xi32, #tpu.memory_space<vmem>> -> memref<8000xi32, #tpu.memory_space<vmem>>
        %dma_wait3A_67 = tpu.memref_slice %arg2[%mul3A_45] : memref<8192000xi32, #tpu.memory_space<hbm>> -> memref<8000xi32, #tpu.memory_space<hbm>>
        tpu.wait_dma2 semaphore(%run_scoped3A : memref<!tpu.dma_semaphore, #tpu.memory_space<semaphore_mem>>) src(%dma_wait3A_67 : memref<8000xi32, #tpu.memory_space<hbm>>) dst(%dma_wait3A_66 : memref<8000xi32, #tpu.memory_space<vmem>>)
        tpu.yield
      }) : () -> ()
      "tpu.region"() ({
        %run_scoped3A = tpu.sem_alloc : memref<!tpu.dma_semaphore, #tpu.memory_space<semaphore_mem>>
        %dma_start3A = arith.constant 0 : i32
        %dma_start3A_58 = tpu.memref_slice %arg6[%dma_start3A] : memref<8032xf32, #tpu.memory_space<vmem>> -> memref<8000xf32, #tpu.memory_space<vmem>>
        %dma_start3A_59 = tpu.memref_slice %arg3[%mul3A_45] : memref<8192000xf32, #tpu.memory_space<hbm>> -> memref<8000xf32, #tpu.memory_space<hbm>>
        %dma_start3A_60 = arith.constant 0 : i32
        %dma_start3A_61 = tpu.memref_slice %arg6[%dma_start3A_60] : memref<8032xf32, #tpu.memory_space<vmem>> -> memref<8000xf32, #tpu.memory_space<vmem>>
        %dma_start3A_62 = tpu.memref_slice %arg3[%mul3A_45] : memref<8192000xf32, #tpu.memory_space<hbm>> -> memref<8000xf32, #tpu.memory_space<hbm>>
        tpu.enqueue_dma source(%dma_start3A_62 : memref<8000xf32, #tpu.memory_space<hbm>>) target(%dma_start3A_61 : memref<8000xf32, #tpu.memory_space<vmem>>) target_semaphore(%run_scoped3A : memref<!tpu.dma_semaphore, #tpu.memory_space<semaphore_mem>>)
        %dma_wait3A = arith.constant 0 : i32
        %dma_wait3A_63 = tpu.memref_slice %arg6[%dma_wait3A] : memref<8032xf32, #tpu.memory_space<vmem>> -> memref<8000xf32, #tpu.memory_space<vmem>>
        %dma_wait3A_64 = tpu.memref_slice %arg3[%mul3A_45] : memref<8192000xf32, #tpu.memory_space<hbm>> -> memref<8000xf32, #tpu.memory_space<hbm>>
        %dma_wait3A_65 = arith.constant 0 : i32
        %dma_wait3A_66 = tpu.memref_slice %arg6[%dma_wait3A_65] : memref<8032xf32, #tpu.memory_space<vmem>> -> memref<8000xf32, #tpu.memory_space<vmem>>
        %dma_wait3A_67 = tpu.memref_slice %arg3[%mul3A_45] : memref<8192000xf32, #tpu.memory_space<hbm>> -> memref<8000xf32, #tpu.memory_space<hbm>>
        tpu.wait_dma2 semaphore(%run_scoped3A : memref<!tpu.dma_semaphore, #tpu.memory_space<semaphore_mem>>) src(%dma_wait3A_67 : memref<8000xf32, #tpu.memory_space<hbm>>) dst(%dma_wait3A_66 : memref<8000xf32, #tpu.memory_space<vmem>>)
        tpu.yield
      }) : () -> ()
      %while3A_46 = arith.constant 0 : i32
      %while3A_47 = arith.constant 8 : i32
      %while3A_48 = arith.subi %while3A_47, %while3A_46 : i32
      %while3A_49 = arith.addi %while3A_46, %while3A_48 : i32
      %while3A_50 = arith.constant 1 : i32
      %while3A_51 = arith.divsi %while3A_48, %while3A_50 : i32
      %while3A_52 = arith.muli %while3A_51, %while3A_50 : i32
      %while3A_53 = arith.addi %while3A_46, %while3A_52 : i32
      %while3A_54 = arith.constant 1 : i32
      %while3A_55:3 = scf.for %while3A_58 = %while3A_46 to %while3A_53 step %while3A_54 iter_args(%while3A_59 = %while3A_36, %while3A_60 = %while3A_37, %while3A_61 = %while3A_38) -> (vector<16xf32>, vector<16xf32>, vector<16xf32>)  : i32 {
        %mul3A_62 = arith.constant 1000 : i32
        %mul3A_63 = arith.muli %while3A_58, %mul3A_62 : i32
        %add3A_64 = arith.addi %add3A_43, %while3A_58 : i32
        %add3A_65 = arith.constant 1 : i32
        %add3A_66 = arith.addi %add3A_64, %add3A_65 : i32
        %add3A_67 = vector.broadcast %add3A_66 : i32 to vector<16xi32>
        %add3A_68 = arith.addi %broadcast_in_dim3A_3, %add3A_67 : vector<16xi32>
        %while3A_69 = arith.constant 0 : i32
        %while3A_70 = arith.constant 0 : i32
        %while3A_71 = arith.constant 62 : i32
        %while3A_72 = arith.subi %while3A_71, %while3A_70 : i32
        %while3A_73 = arith.addi %while3A_70, %while3A_72 : i32
        %while3A_74 = arith.constant 1 : i32
        %while3A_75 = arith.divsi %while3A_72, %while3A_74 : i32
        %while3A_76 = arith.muli %while3A_75, %while3A_74 : i32
        %while3A_77 = arith.addi %while3A_70, %while3A_76 : i32
        %while3A_78 = arith.constant 1 : i32
        scf.for %while3A_106 = %while3A_70 to %while3A_77 step %while3A_78  : i32 {
          %mul3A_107 = arith.constant 16 : i32
          %mul3A_108 = arith.muli %while3A_106, %mul3A_107 : i32
          %add3A_109 = arith.addi %mul3A_63, %mul3A_108 : i32
          %get3A_110 = arith.index_cast %add3A_109 : i32 to index
          %get3A_111 = tpu.vector_load %arg5[%get3A_110] {strides = array<i32>} : memref<8032xi32, #tpu.memory_space<vmem>>, vector<16xi32>,
          tpu.vector_store_idx %arg7[%get3A_111], %add3A_68 : memref<1024xi32, #tpu.memory_space<vmem>>[vector<16xi32>], vector<16xi32>,
        }
        %while3A_79 = arith.constant 1 : i32
        scf.for %while3A_106 = %while3A_77 to %while3A_73 step %while3A_79  : i32 {
          %mul3A_107 = arith.constant 16 : i32
          %mul3A_108 = arith.muli %while3A_106, %mul3A_107 : i32
          %add3A_109 = arith.addi %mul3A_63, %mul3A_108 : i32
          %get3A_110 = arith.index_cast %add3A_109 : i32 to index
          %get3A_111 = tpu.vector_load %arg5[%get3A_110] {strides = array<i32>} : memref<8032xi32, #tpu.memory_space<vmem>>, vector<16xi32>,
          tpu.vector_store_idx %arg7[%get3A_111], %add3A_68 : memref<1024xi32, #tpu.memory_space<vmem>>[vector<16xi32>], vector<16xi32>,
        }
        %add3A_80 = arith.constant 992 : i32
        %add3A_81 = arith.addi %mul3A_63, %add3A_80 : i32
        %get3A = arith.index_cast %add3A_81 : i32 to index
        %get3A_82 = tpu.vector_load %arg5[%get3A] {strides = array<i32>} : memref<8032xi32, #tpu.memory_space<vmem>>, vector<16xi32>,
        tpu.vector_store_idx %arg7[%get3A_82], %add3A_68 masked %lt3A_2 : memref<1024xi32, #tpu.memory_space<vmem>>[vector<16xi32>], vector<16xi32>, vector<16xi1>
        %while3A_83 = arith.constant 0 : i32
        %while3A_84 = arith.constant 62 : i32
        %while3A_85 = arith.subi %while3A_84, %while3A_83 : i32
        %while3A_86 = arith.addi %while3A_83, %while3A_85 : i32
        %while3A_87 = arith.constant 1 : i32
        %while3A_88 = arith.divsi %while3A_85, %while3A_87 : i32
        %while3A_89 = arith.muli %while3A_88, %while3A_87 : i32
        %while3A_90 = arith.addi %while3A_83, %while3A_89 : i32
        %while3A_91 = arith.constant 1 : i32
        %while3A_92:3 = scf.for %while3A_106 = %while3A_83 to %while3A_90 step %while3A_91 iter_args(%while3A_107 = %while3A_59, %while3A_108 = %while3A_60, %while3A_109 = %while3A_61) -> (vector<16xf32>, vector<16xf32>, vector<16xf32>)  : i32 {
          %mul3A_110 = arith.constant 16 : i32
          %mul3A_111 = arith.muli %while3A_106, %mul3A_110 : i32
          %get3A_112 = arith.index_cast %mul3A_111 : i32 to index
          %get3A_113 = tpu.vector_load %arg7[%get3A_112] {strides = array<i32>} : memref<1024xi32, #tpu.memory_space<vmem>>, vector<16xi32>,
          %mul3A_114 = arith.constant 16 : i32
          %mul3A_115 = arith.muli %while3A_106, %mul3A_114 : i32
          %add3A_116 = arith.addi %mul3A_63, %mul3A_115 : i32
          %get3A_117 = arith.index_cast %add3A_116 : i32 to index
          %get3A_118 = tpu.vector_load %arg6[%get3A_117] {strides = array<i32>} : memref<8032xf32, #tpu.memory_space<vmem>>, vector<16xf32>,
          %eq3A_119 = arith.cmpi eq, %get3A_113, %add3A_68 : vector<16xi32>
          %select_n3A_120 = arith.select %eq3A_119, %broadcast_in_dim3A_7, %broadcast_in_dim3A_5 : vector<16xi1>, vector<16xf32>
          %add3A_121 = arith.addf %while3A_107, %select_n3A_120 : vector<16xf32>
          %select_n3A_122 = arith.select %eq3A_119, %get3A_118, %broadcast_in_dim3A_5 : vector<16xi1>, vector<16xf32>
          %add3A_123 = arith.addf %while3A_108, %select_n3A_122 : vector<16xf32>
          %add3A_124 = arith.addf %while3A_109, %get3A_118 : vector<16xf32>
          scf.yield %add3A_121, %add3A_123, %add3A_124 : vector<16xf32>, vector<16xf32>, vector<16xf32>
        }
        %while3A_93 = arith.constant 1 : i32
        %while3A_94:3 = scf.for %while3A_106 = %while3A_90 to %while3A_86 step %while3A_93 iter_args(%while3A_107 = %while3A_92#0, %while3A_108 = %while3A_92#1, %while3A_109 = %while3A_92#2) -> (vector<16xf32>, vector<16xf32>, vector<16xf32>)  : i32 {
          %mul3A_110 = arith.constant 16 : i32
          %mul3A_111 = arith.muli %while3A_106, %mul3A_110 : i32
          %get3A_112 = arith.index_cast %mul3A_111 : i32 to index
          %get3A_113 = tpu.vector_load %arg7[%get3A_112] {strides = array<i32>} : memref<1024xi32, #tpu.memory_space<vmem>>, vector<16xi32>,
          %mul3A_114 = arith.constant 16 : i32
          %mul3A_115 = arith.muli %while3A_106, %mul3A_114 : i32
          %add3A_116 = arith.addi %mul3A_63, %mul3A_115 : i32
          %get3A_117 = arith.index_cast %add3A_116 : i32 to index
          %get3A_118 = tpu.vector_load %arg6[%get3A_117] {strides = array<i32>} : memref<8032xf32, #tpu.memory_space<vmem>>, vector<16xf32>,
          %eq3A_119 = arith.cmpi eq, %get3A_113, %add3A_68 : vector<16xi32>
          %select_n3A_120 = arith.select %eq3A_119, %broadcast_in_dim3A_7, %broadcast_in_dim3A_5 : vector<16xi1>, vector<16xf32>
          %add3A_121 = arith.addf %while3A_107, %select_n3A_120 : vector<16xf32>
          %select_n3A_122 = arith.select %eq3A_119, %get3A_118, %broadcast_in_dim3A_5 : vector<16xi1>, vector<16xf32>
          %add3A_123 = arith.addf %while3A_108, %select_n3A_122 : vector<16xf32>
          %add3A_124 = arith.addf %while3A_109, %get3A_118 : vector<16xf32>
          scf.yield %add3A_121, %add3A_123, %add3A_124 : vector<16xf32>, vector<16xf32>, vector<16xf32>
        }
        %get3A_95 = arith.constant 992 : index
        %get3A_96 = tpu.vector_load %arg7[%get3A_95] {strides = array<i32>} : memref<1024xi32, #tpu.memory_space<vmem>>, vector<16xi32>,
        %add3A_97 = arith.constant 992 : i32
        %add3A_98 = arith.addi %mul3A_63, %add3A_97 : i32
        %get3A_99 = arith.index_cast %add3A_98 : i32 to index
        %get3A_100 = tpu.vector_load %arg6[%get3A_99] {strides = array<i32>} : memref<8032xf32, #tpu.memory_space<vmem>>, vector<16xf32>,
        %eq3A = arith.cmpi eq, %get3A_96, %add3A_68 : vector<16xi32>
        %and3A = arith.andi %eq3A, %lt3A_2 : vector<16xi1>
        %select_n3A = arith.select %lt3A_2, %get3A_100, %broadcast_in_dim3A_5 : vector<16xi1>, vector<16xf32>
        %select_n3A_101 = arith.select %and3A, %broadcast_in_dim3A_7, %broadcast_in_dim3A_5 : vector<16xi1>, vector<16xf32>
        %add3A_102 = arith.addf %while3A_94#0, %select_n3A_101 : vector<16xf32>
        %select_n3A_103 = arith.select %and3A, %select_n3A, %broadcast_in_dim3A_5 : vector<16xi1>, vector<16xf32>
        %add3A_104 = arith.addf %while3A_94#1, %select_n3A_103 : vector<16xf32>
        %add3A_105 = arith.addf %while3A_94#2, %select_n3A : vector<16xf32>
        scf.yield %add3A_102, %add3A_104, %add3A_105 : vector<16xf32>, vector<16xf32>, vector<16xf32>
      }
      %while3A_56 = arith.constant 1 : i32
      %while3A_57:3 = scf.for %while3A_58 = %while3A_53 to %while3A_49 step %while3A_56 iter_args(%while3A_59 = %while3A_55#0, %while3A_60 = %while3A_55#1, %while3A_61 = %while3A_55#2) -> (vector<16xf32>, vector<16xf32>, vector<16xf32>)  : i32 {
        %mul3A_62 = arith.constant 1000 : i32
        %mul3A_63 = arith.muli %while3A_58, %mul3A_62 : i32
        %add3A_64 = arith.addi %add3A_43, %while3A_58 : i32
        %add3A_65 = arith.constant 1 : i32
        %add3A_66 = arith.addi %add3A_64, %add3A_65 : i32
        %add3A_67 = vector.broadcast %add3A_66 : i32 to vector<16xi32>
        %add3A_68 = arith.addi %broadcast_in_dim3A_3, %add3A_67 : vector<16xi32>
        %while3A_69 = arith.constant 0 : i32
        %while3A_70 = arith.constant 0 : i32
        %while3A_71 = arith.constant 62 : i32
        %while3A_72 = arith.subi %while3A_71, %while3A_70 : i32
        %while3A_73 = arith.addi %while3A_70, %while3A_72 : i32
        %while3A_74 = arith.constant 1 : i32
        %while3A_75 = arith.divsi %while3A_72, %while3A_74 : i32
        %while3A_76 = arith.muli %while3A_75, %while3A_74 : i32
        %while3A_77 = arith.addi %while3A_70, %while3A_76 : i32
        %while3A_78 = arith.constant 1 : i32
        scf.for %while3A_106 = %while3A_70 to %while3A_77 step %while3A_78  : i32 {
          %mul3A_107 = arith.constant 16 : i32
          %mul3A_108 = arith.muli %while3A_106, %mul3A_107 : i32
          %add3A_109 = arith.addi %mul3A_63, %mul3A_108 : i32
          %get3A_110 = arith.index_cast %add3A_109 : i32 to index
          %get3A_111 = tpu.vector_load %arg5[%get3A_110] {strides = array<i32>} : memref<8032xi32, #tpu.memory_space<vmem>>, vector<16xi32>,
          tpu.vector_store_idx %arg7[%get3A_111], %add3A_68 : memref<1024xi32, #tpu.memory_space<vmem>>[vector<16xi32>], vector<16xi32>,
        }
        %while3A_79 = arith.constant 1 : i32
        scf.for %while3A_106 = %while3A_77 to %while3A_73 step %while3A_79  : i32 {
          %mul3A_107 = arith.constant 16 : i32
          %mul3A_108 = arith.muli %while3A_106, %mul3A_107 : i32
          %add3A_109 = arith.addi %mul3A_63, %mul3A_108 : i32
          %get3A_110 = arith.index_cast %add3A_109 : i32 to index
          %get3A_111 = tpu.vector_load %arg5[%get3A_110] {strides = array<i32>} : memref<8032xi32, #tpu.memory_space<vmem>>, vector<16xi32>,
          tpu.vector_store_idx %arg7[%get3A_111], %add3A_68 : memref<1024xi32, #tpu.memory_space<vmem>>[vector<16xi32>], vector<16xi32>,
        }
        %add3A_80 = arith.constant 992 : i32
        %add3A_81 = arith.addi %mul3A_63, %add3A_80 : i32
        %get3A = arith.index_cast %add3A_81 : i32 to index
        %get3A_82 = tpu.vector_load %arg5[%get3A] {strides = array<i32>} : memref<8032xi32, #tpu.memory_space<vmem>>, vector<16xi32>,
        tpu.vector_store_idx %arg7[%get3A_82], %add3A_68 masked %lt3A_2 : memref<1024xi32, #tpu.memory_space<vmem>>[vector<16xi32>], vector<16xi32>, vector<16xi1>
        %while3A_83 = arith.constant 0 : i32
        %while3A_84 = arith.constant 62 : i32
        %while3A_85 = arith.subi %while3A_84, %while3A_83 : i32
        %while3A_86 = arith.addi %while3A_83, %while3A_85 : i32
        %while3A_87 = arith.constant 1 : i32
        %while3A_88 = arith.divsi %while3A_85, %while3A_87 : i32
        %while3A_89 = arith.muli %while3A_88, %while3A_87 : i32
        %while3A_90 = arith.addi %while3A_83, %while3A_89 : i32
        %while3A_91 = arith.constant 1 : i32
        %while3A_92:3 = scf.for %while3A_106 = %while3A_83 to %while3A_90 step %while3A_91 iter_args(%while3A_107 = %while3A_59, %while3A_108 = %while3A_60, %while3A_109 = %while3A_61) -> (vector<16xf32>, vector<16xf32>, vector<16xf32>)  : i32 {
          %mul3A_110 = arith.constant 16 : i32
          %mul3A_111 = arith.muli %while3A_106, %mul3A_110 : i32
          %get3A_112 = arith.index_cast %mul3A_111 : i32 to index
          %get3A_113 = tpu.vector_load %arg7[%get3A_112] {strides = array<i32>} : memref<1024xi32, #tpu.memory_space<vmem>>, vector<16xi32>,
          %mul3A_114 = arith.constant 16 : i32
          %mul3A_115 = arith.muli %while3A_106, %mul3A_114 : i32
          %add3A_116 = arith.addi %mul3A_63, %mul3A_115 : i32
          %get3A_117 = arith.index_cast %add3A_116 : i32 to index
          %get3A_118 = tpu.vector_load %arg6[%get3A_117] {strides = array<i32>} : memref<8032xf32, #tpu.memory_space<vmem>>, vector<16xf32>,
          %eq3A_119 = arith.cmpi eq, %get3A_113, %add3A_68 : vector<16xi32>
          %select_n3A_120 = arith.select %eq3A_119, %broadcast_in_dim3A_7, %broadcast_in_dim3A_5 : vector<16xi1>, vector<16xf32>
          %add3A_121 = arith.addf %while3A_107, %select_n3A_120 : vector<16xf32>
          %select_n3A_122 = arith.select %eq3A_119, %get3A_118, %broadcast_in_dim3A_5 : vector<16xi1>, vector<16xf32>
          %add3A_123 = arith.addf %while3A_108, %select_n3A_122 : vector<16xf32>
          %add3A_124 = arith.addf %while3A_109, %get3A_118 : vector<16xf32>
          scf.yield %add3A_121, %add3A_123, %add3A_124 : vector<16xf32>, vector<16xf32>, vector<16xf32>
        }
        %while3A_93 = arith.constant 1 : i32
        %while3A_94:3 = scf.for %while3A_106 = %while3A_90 to %while3A_86 step %while3A_93 iter_args(%while3A_107 = %while3A_92#0, %while3A_108 = %while3A_92#1, %while3A_109 = %while3A_92#2) -> (vector<16xf32>, vector<16xf32>, vector<16xf32>)  : i32 {
          %mul3A_110 = arith.constant 16 : i32
          %mul3A_111 = arith.muli %while3A_106, %mul3A_110 : i32
          %get3A_112 = arith.index_cast %mul3A_111 : i32 to index
          %get3A_113 = tpu.vector_load %arg7[%get3A_112] {strides = array<i32>} : memref<1024xi32, #tpu.memory_space<vmem>>, vector<16xi32>,
          %mul3A_114 = arith.constant 16 : i32
          %mul3A_115 = arith.muli %while3A_106, %mul3A_114 : i32
          %add3A_116 = arith.addi %mul3A_63, %mul3A_115 : i32
          %get3A_117 = arith.index_cast %add3A_116 : i32 to index
          %get3A_118 = tpu.vector_load %arg6[%get3A_117] {strides = array<i32>} : memref<8032xf32, #tpu.memory_space<vmem>>, vector<16xf32>,
          %eq3A_119 = arith.cmpi eq, %get3A_113, %add3A_68 : vector<16xi32>
          %select_n3A_120 = arith.select %eq3A_119, %broadcast_in_dim3A_7, %broadcast_in_dim3A_5 : vector<16xi1>, vector<16xf32>
          %add3A_121 = arith.addf %while3A_107, %select_n3A_120 : vector<16xf32>
          %select_n3A_122 = arith.select %eq3A_119, %get3A_118, %broadcast_in_dim3A_5 : vector<16xi1>, vector<16xf32>
          %add3A_123 = arith.addf %while3A_108, %select_n3A_122 : vector<16xf32>
          %add3A_124 = arith.addf %while3A_109, %get3A_118 : vector<16xf32>
          scf.yield %add3A_121, %add3A_123, %add3A_124 : vector<16xf32>, vector<16xf32>, vector<16xf32>
        }
        %get3A_95 = arith.constant 992 : index
        %get3A_96 = tpu.vector_load %arg7[%get3A_95] {strides = array<i32>} : memref<1024xi32, #tpu.memory_space<vmem>>, vector<16xi32>,
        %add3A_97 = arith.constant 992 : i32
        %add3A_98 = arith.addi %mul3A_63, %add3A_97 : i32
        %get3A_99 = arith.index_cast %add3A_98 : i32 to index
        %get3A_100 = tpu.vector_load %arg6[%get3A_99] {strides = array<i32>} : memref<8032xf32, #tpu.memory_space<vmem>>, vector<16xf32>,
        %eq3A = arith.cmpi eq, %get3A_96, %add3A_68 : vector<16xi32>
        %and3A = arith.andi %eq3A, %lt3A_2 : vector<16xi1>
        %select_n3A = arith.select %lt3A_2, %get3A_100, %broadcast_in_dim3A_5 : vector<16xi1>, vector<16xf32>
        %select_n3A_101 = arith.select %and3A, %broadcast_in_dim3A_7, %broadcast_in_dim3A_5 : vector<16xi1>, vector<16xf32>
        %add3A_102 = arith.addf %while3A_94#0, %select_n3A_101 : vector<16xf32>
        %select_n3A_103 = arith.select %and3A, %select_n3A, %broadcast_in_dim3A_5 : vector<16xi1>, vector<16xf32>
        %add3A_104 = arith.addf %while3A_94#1, %select_n3A_103 : vector<16xf32>
        %add3A_105 = arith.addf %while3A_94#2, %select_n3A : vector<16xf32>
        scf.yield %add3A_102, %add3A_104, %add3A_105 : vector<16xf32>, vector<16xf32>, vector<16xf32>
      }
      scf.yield %while3A_57#0, %while3A_57#1, %while3A_57#2 : vector<16xf32>, vector<16xf32>, vector<16xf32>
    }
    %swap3A = arith.constant 0 : index
    %swap3A_30 = tpu.vector_load %arg8[%swap3A] {strides = array<i32>} : memref<48xf32, #tpu.memory_space<vmem>>, vector<16xf32>,
    tpu.vector_store %arg8[%swap3A], %while3A_29#0 {strides = array<i32>} : memref<48xf32, #tpu.memory_space<vmem>>, vector<16xf32>,
    %swap3A_31 = arith.constant 16 : index
    %swap3A_32 = tpu.vector_load %arg8[%swap3A_31] {strides = array<i32>} : memref<48xf32, #tpu.memory_space<vmem>>, vector<16xf32>,
    tpu.vector_store %arg8[%swap3A_31], %while3A_29#1 {strides = array<i32>} : memref<48xf32, #tpu.memory_space<vmem>>, vector<16xf32>,
    %swap3A_33 = arith.constant 32 : index
    %swap3A_34 = tpu.vector_load %arg8[%swap3A_33] {strides = array<i32>} : memref<48xf32, #tpu.memory_space<vmem>>, vector<16xf32>,
    tpu.vector_store %arg8[%swap3A_33], %while3A_29#2 {strides = array<i32>} : memref<48xf32, #tpu.memory_space<vmem>>, vector<16xf32>,
    "tpu.region"() ({
      %run_scoped3A = tpu.sem_alloc : memref<!tpu.dma_semaphore, #tpu.memory_space<semaphore_mem>>
      %dma_start3A = arith.constant 0 : i32
      %dma_start3A_35 = tpu.memref_slice %arg4[%add3A, %dma_start3A] : memref<32x48xf32, #tpu.memory_space<hbm>> -> memref<1x48xf32, #tpu.memory_space<hbm>>
      %dma_start3A_36 = tpu.memref_squeeze %dma_start3A_35 : memref<1x48xf32, #tpu.memory_space<hbm>> -> memref<48xf32, #tpu.memory_space<hbm>>
      %dma_start3A_37 = arith.constant 0 : i32
      %dma_start3A_38 = tpu.memref_slice %arg4[%add3A, %dma_start3A_37] : memref<32x48xf32, #tpu.memory_space<hbm>> -> memref<1x48xf32, #tpu.memory_space<hbm>>
      %dma_start3A_39 = tpu.memref_squeeze %dma_start3A_38 : memref<1x48xf32, #tpu.memory_space<hbm>> -> memref<48xf32, #tpu.memory_space<hbm>>
      tpu.enqueue_dma source(%arg8 : memref<48xf32, #tpu.memory_space<vmem>>) target(%dma_start3A_39 : memref<48xf32, #tpu.memory_space<hbm>>) target_semaphore(%run_scoped3A : memref<!tpu.dma_semaphore, #tpu.memory_space<semaphore_mem>>)
      %dma_wait3A = arith.constant 0 : i32
      %dma_wait3A_40 = tpu.memref_slice %arg4[%add3A, %dma_wait3A] : memref<32x48xf32, #tpu.memory_space<hbm>> -> memref<1x48xf32, #tpu.memory_space<hbm>>
      %dma_wait3A_41 = tpu.memref_squeeze %dma_wait3A_40 : memref<1x48xf32, #tpu.memory_space<hbm>> -> memref<48xf32, #tpu.memory_space<hbm>>
      %dma_wait3A_42 = arith.constant 0 : i32
      %dma_wait3A_43 = tpu.memref_slice %arg4[%add3A, %dma_wait3A_42] : memref<32x48xf32, #tpu.memory_space<hbm>> -> memref<1x48xf32, #tpu.memory_space<hbm>>
      %dma_wait3A_44 = tpu.memref_squeeze %dma_wait3A_43 : memref<1x48xf32, #tpu.memory_space<hbm>> -> memref<48xf32, #tpu.memory_space<hbm>>
      tpu.wait_dma2 semaphore(%run_scoped3A : memref<!tpu.dma_semaphore, #tpu.memory_space<semaphore_mem>>) src(%arg8 : memref<48xf32, #tpu.memory_space<vmem>>) dst(%dma_wait3A_44 : memref<48xf32, #tpu.memory_space<hbm>>)
      tpu.yield
    }) : () -> ()
    return
  }
}

</mosaic_0001>

<sc_bundles>
// kernel: kernel.3.cloned.1.call-start
scs
__scs_entry_jumppad:
0x0: {  	(pc) =	sbr.rel $0x88, $3  }
0x1: {  	(tag) =	ssettag $0x0;
	lr =	simm.s32 $0x1  }
0x2: {  	[smem:$0x3F9F] =	sst lr;
	_ =	strace $0xD0000000  }
0x3: {  	_ = 	snop  }
0x4: {  	_ = 	snop  }
0x5: {  	_ = 	snop  }
0x6: {  	_ = 	snop  }
0x7: {  	_ = 	snop  }
__scs_overlays_trampoline_lowered:
0x8: {  	[smem:$0x3FAE] =	sst s0  }
0x9: {  	[smem:$0x3FAF] =	sst s1  }
0xa: {  	[smem:$0x3FB0] =	sst s2  }
0xb: {  	[smem:$0x3FB1] =	sst s3  }
0xc: {  	[smem:$0x3FB2] =	sst s4  }
0xd: {  	[smem:$0x3FB3] =	sst s5  }
0xe: {  	[smem:$0x3FB4] =	sst s6  }
0xf: {  	[smem:$0x3FB5] =	sst s7  }
0x10: {  	[smem:$0x3FB6] =	sst s8  }
0x11: {  	[smem:$0x3FB7] =	sst s9;
	s0 =	simm.s32 @!p0 $0x0  }
0x12: {  	s1 =	sld [smem:$0x3F9D];
	s0 =	simm.s32 @p0 $0x1  }
0x13: {  	[smem:$0x3FB8] =	sst s0;
	s0 =	simm.s32 @!p1 $0x0  }
0x14: {  	s2 =	sld [smem:$0x3F9C];
	s0 =	simm.s32 @p1 $0x1  }
0x15: {  	[smem:$0x3FB9] =	sst s0;
	s0 =	simm.s32 @!p2 $0x0  }
0x16: {  	s3 =	sld [smem:$0x3FDB];
	s0 =	simm.s32 @p2 $0x1  }
0x17: {  	s4 =	simm.s32 $0x1BF5;
	[smem:$0x3FBB] =	sst s0  }
0x18: {  	s0 =	sld [smem:$0x3F9E];
	_ =	swait.ge [sflag:s4], $0x0  }
0x19: {  	s7 =	sld [smem:$0x3F9F]  }
0x1a: {  	s8 =	sadd.s32 $0xFFFFE003, lr  }
0x1b: {  	s9 =	sadd.s32 $0xFFFFFEF7, lr;
	s5 =	simm.s32 $0xFFFFFFFF;
	p2 =	slt.u32 s8, $0xFFFFF086  }
0x1c: {  	p1 =	slt.u32 s9, $0xF7A;
	s5 =	simm.s32 @!p2 $0x0  }
0x1d: {  	s5 =	simm.s32 @p1 $0x1;
	p0 =	seq.s32 s7, s2  }
0x1e: {  	s7 =	smul.u32 @!p0 $0xF7A, s2;
	p2 =	seq.s32 @!p0 s5, $0x0  }
0x1f: {  	s9 =	smul.u32 $0xF7A, s1;
	s8 =	simm.s32 @!p0 $0x1BF5;
	p2 =	por !p2, p0  }
0x20: {  	[sflag:s8] =	ssyncset.s32 @!p0 $0xFFFFF086;
	s6 =	sadd.s32 @!p0 s3, s7;
	s7 =	simm.s32 @!p0 $0x108  }
0x21: {  	s3 =	sadd.s32 s3, s9;
	s6 =	sadd.s32 @!p0 $0x88, s6;
	s7 =	simm.s32 @p2 $0x1082  }
0x22: {  	[simem:s7], [sflag:s8] =	dma.local @!p0 [hbm:s6], $0xF7A  }
0x23: {  	s9 =	sor.u32 $0xD0000000, s2;
	s6 =	simm.s32 $0x108;
	_ =	swait.ge @!p0 [sflag:s8], $0x0  }
0x24: {  	s3 =	sadd.s32 $0x88, s3;
	s6 =	simm.s32 @!p1 $0x1082;
	[sflag:s4] =	ssyncset.s32 $0xFFFFF086  }
0x25: {  	[simem:s6], [sflag:s4] =	dma.local [hbm:s3], $0xF7A  }
0x26: {  	[smem:$0x3F9F] =	sst s1;
	(tag) =	ssettag s2;
	_ =	strace s9  }
0x27: {  	s1 =	sld [smem:$0x3FAF]  }
0x28: {  	s2 =	sld [smem:$0x3FB0]  }
0x29: {  	s4 =	sld [smem:$0x3FB2]  }
0x2a: {  	p0 =	seq.s32 s5, $0x0;
	s5 =	sld [smem:$0x3FB3]  }
0x2b: {  	s6 =	sld [smem:$0x3FB4]  }
0x2c: {  	s7 =	sld [smem:$0x3FB5]  }
0x2d: {  	s3 =	simm.s32 $0x108;
	s8 =	sld [smem:$0x3FB6]  }
0x2e: {  	s3 =	simm.s32 @!p0 $0x1082;
	s9 =	sld [smem:$0x3FB7]  }
0x2f: {  	lr =	sadd.s32 s0, s3;
	s0 =	sld [smem:$0x3FAE]  }
0x30: {  	s3 =	sld [smem:$0x3FB1]  }
0x31: {  	[smem:$0x3FBA] =	sst s10  }
0x32: {  	s10 =	sld [smem:$0x3FB8];
	_ =	sdelay $0x3  }
0x33: {  	p0 =	seq.s32 s10, $0x1;
	s10 =	sld [smem:$0x3FBA];
	_ =	sdelay $0x3  }
0x34: {  	[smem:$0x3FBA] =	sst s10  }
0x35: {  	s10 =	sld [smem:$0x3FB9];
	_ =	sdelay $0x3  }
0x36: {  	p1 =	seq.s32 s10, $0x1;
	s10 =	sld [smem:$0x3FBA];
	_ =	sdelay $0x3  }
0x37: {  	[smem:$0x3FBA] =	sst s10  }
0x38: {  	s10 =	sld [smem:$0x3FBB]  }
0x39: {  	_ = 	snop;
	(pc) =	sbr.ind lr, $3  }
0x3a: {  	_ = 	snop  }
0x3b: {  	_ = 	snop  }
0x3c: {  	p2 =	seq.s32 s10, $0x1;
	s10 =	sld [smem:$0x3FBA]  }
0x3d: {  	_ =	shalt  }
0x3e: {  	_ =	shalt  }
0x3f: {  	_ =	shalt  }
0x40: {  	_ =	shalt  }
0x41: {  	_ =	shalt  }
0x42: {  	_ =	shalt  }
0x43: {  	_ =	shalt  }
0x44: {  	_ =	shalt  }
0x45: {  	_ =	shalt  }
0x46: {  	_ =	shalt  }
0x47: {  	_ =	shalt  }
0x48: {  	_ =	shalt  }
0x49: {  	_ =	shalt  }
0x4a: {  	_ =	shalt  }
0x4b: {  	_ =	shalt  }
0x4c: {  	_ =	shalt  }
0x4d: {  	_ =	shalt  }
0x4e: {  	_ =	shalt  }
0x4f: {  	_ =	shalt  }
0x50: {  	_ =	shalt  }
0x51: {  	_ =	shalt  }
0x52: {  	_ =	shalt  }
0x53: {  	_ =	shalt  }
0x54: {  	_ =	shalt  }
0x55: {  	_ =	shalt  }
0x56: {  	_ =	shalt  }
0x57: {  	_ =	shalt  }
0x58: {  	_ =	shalt  }
0x59: {  	_ =	shalt  }
0x5a: {  	_ =	shalt  }
0x5b: {  	_ =	shalt  }
0x5c: {  	_ =	shalt  }
0x5d: {  	_ =	shalt  }
0x5e: {  	_ =	shalt  }
0x5f: {  	_ =	shalt  }
0x60: {  	_ =	shalt  }
0x61: {  	_ =	shalt  }
0x62: {  	_ =	shalt  }
0x63: {  	_ =	shalt  }
0x64: {  	_ =	shalt  }
0x65: {  	_ =	shalt  }
0x66: {  	_ =	shalt  }
0x67: {  	_ =	shalt  }
0x68: {  	_ =	shalt  }
0x69: {  	_ =	shalt  }
0x6a: {  	_ =	shalt  }
0x6b: {  	_ =	shalt  }
0x6c: {  	_ =	shalt  }
0x6d: {  	_ =	shalt  }
0x6e: {  	_ =	shalt  }
0x6f: {  	_ =	shalt  }
0x70: {  	_ =	shalt  }
0x71: {  	_ =	shalt  }
0x72: {  	_ =	shalt  }
0x73: {  	_ =	shalt  }
0x74: {  	_ =	shalt  }
0x75: {  	_ =	shalt  }
0x76: {  	_ =	shalt  }
0x77: {  	_ =	shalt  }
0x78: {  	_ =	shalt  }
0x79: {  	_ =	shalt  }
0x7a: {  	_ =	shalt  }
0x7b: {  	_ =	shalt  }
0x7c: {  	_ =	shalt  }
0x7d: {  	_ =	shalt  }
0x7e: {  	_ =	shalt  }
0x7f: {  	_ =	shalt  }
0x80: {  	_ =	shalt  }
0x81: {  	_ =	shalt  }
0x82: {  	_ =	shalt  }
0x83: {  	_ =	shalt  }
0x84: {  	_ =	shalt  }
0x85: {  	_ =	shalt  }
0x86: {  	_ =	shalt  }
0x87: {  	_ =	shalt  }
.Lfunc_end0:
.L_simem_size_0:
called_computation_lowered:
.L_overlay_start_0:
0x88: {  	s2 =	sld [smem:$0x3FD9]  }
0x89: {  	s3 =	sld [smem:$0x3FFE];
	_ =	sdelay $0x1  }
0x8a: {  	s1 =	srdreg.scid  }
0x8b: {  	s0 =	sand.u32 $0x1, s1  }
0x8c: {  	s16 =	sshll.u32 s0, $0xA;
	s2 =	sadd.s32 s3, s2  }
0x8d: {  	s2 =	sadd.s32 s2, s16  }
0x8e: {  	[smem:$0x3FC6] =	sst s2  }
0x8f: {  	_ = 	snop  }
0x90: {  	(tm) =	ssettm $0x1  }
0x91: {  	s17 =	sld [smem:$0x3FFB];
	_ =	sdelay $0x3  }
0x92: {  	_ =	strace s17  }
0x93: {  	s2 =	sld [smem:$0x3FFC];
	_ =	sdelay $0x3  }
0x94: {  	_ =	strace s2  }
0x95: {  	s2 =	sld [smem:$0x3FFD];
	_ =	sdelay $0x3  }
0x96: {  	_ =	strace s2  }
0x97: {  	_ =	strace $0x8FFFFFFF  }
0x98: {  	s18 =	sld [smem:$0x3FDB];
	_ =	sdelay $0x1  }
0x99: {  	s19 =	simm.s32 $_scs_section_size  }
0x9a: {  	s4 =	simm.s32 $_size__tile_overlayer_lowered;
	s5 =	simm.s32 $_tile_overlayer_lowered  }
0x9b: {  	s22 =	simm.s32 $0x1BFF;
	s21 =	sshll.u32 s5, $0x1;
	s2 =	sadd.s32 s19, s18  }
0x9c: {  	s6 =	simm.s32 $0x0;
	s20 =	sshll.u32 s4, $0x1;
	s4 =	sadd.s32 s21, s2  }
0x9d: {  	[timem:s6], [sflag:s22] =	dma.local [hbm:s4], s20  }
0x9e: {  	_ =	swait.ge [sflag:s22], s20  }
0x9f: {  	s3 =	ssub.s32 $0x0, s20;
	[sflag:s22] =	ssyncset.done $0x0  }
0xa0: {  	[sflag:s22] =	ssyncadd.s32 s3;
	_ =	sdelay $0x1  }
0xa1: {  	s23 =	simm.s32 $0x1B8B  }
0xa2: {  	_ =	swait.ge [sflag:s23], $0x1  }
0xa3: {  	[sflag:s23] =	ssyncset.done $0x0  }
0xa4: {  	s25 =	simm.s32 $0x1B8E;
	s24 =	sld [smem:$0x3FFE];
	[sflag:s23] =	ssyncadd.s32 $0xFFFFFFFF  }
0xa5: {  	s26 =	simm.s32 $execute0_lowered;
	[smem:$0x3FD2] =	sst s25  }
0xa6: {  	s4 =	sshll.u32 s26, $0x1;
	_ =	strace $0x80000046;
	[dreg:$0x1] =	wrdreg $0xFFFFFFFF  }
0xa7: {  	s28 =	simm.s32 $_size_execute0_lowered;
	s2 =	sadd.s32 s2, s4;
	[dreg:$0x0] =	wrdreg $0x0  }
0xa8: {  	s4 =	sshll.u32 s28, $0x1;
	[dreg:$0x2] =	wrdreg s2  }
0xa9: {  	[dreg:$0x3] =	wrdreg s4  }
0xaa: {  	[dreg:$0x4] =	wrdreg $0xC0  }
0xab: {  	_ =	task [dreg:s6], $0x5FFFF  }
0xac: {  	[dreg:$0x1] =	wrdreg $0xFFFFFFFF  }
0xad: {  	[dreg:$0x0] =	wrdreg $0x60  }
0xae: {  	[dreg:$0x2] =	wrdreg s24  }
0xaf: {  	[dreg:$0x3] =	wrdreg $0x9  }
0xb0: {  	_ =	task.clear_ibuf [dreg:s6], $0x4FFFF;
	_ =	strace $0x90000046  }
0xb1: {  	s29 =	simm.s32 $0x9;
	_ =	strace $0x80000048  }
0xb2: {  	_ =	swait.ge [sflag:s29], $0x1  }
0xb3: {  	[sflag:s29] =	ssyncadd.s32 $0xFFFFFFFF  }
0xb4: {  	_ =	strace $0x90000048  }
0xb5: {  	_ =	sfence  }
0xb6: {  	s30 =	sld [smem:$0x0];
	_ =	sdelay $0x2  }
0xb7: {  	s31 =	sshll.u32 s1, $0xD;
	s1 =	sshrl.u32 s1, $0x2  }
0xb8: {  	s3 =	sand.u32 $0x4000, s31;
	s1 =	sadd.s32 s1, s30  }
0xb9: {  	s0 =	sor.u32 s3, s0;
	s1 =	sshll.u32 s1, $0x11  }
0xba: {  	s0 =	sor.u32 s1, s0  }
0xbb: {  	s0 =	sadd.s32 $0x8F2B, s0  }
0xbc: {  	[sflag:s0] =	ssyncadd.remote.s32 $0x1  }
0xbd: {  	_ =	sfence.sel $0xFFFF  }
0xbe: {  	[dreg:$0x0] =	wrdreg $0xFFFFFFFF;
	(pc) =	sbr.abs _section_cstart, $3  }
0xbf: {  	[dreg:$0x1] =	wrdreg $0xFFFFFFFF  }
0xc0: {  	_ =	task.clear_ibuf [dreg:s6], $0x2FFFF;
	_ =	strace $0x9FFFFFFF  }
0xc1: {  	(tm) =	ssettm $0x7FFFFFFF  }
tec
execute0_lowered:
.L_overlay_start_1:
0x0: {  	(tag) =	ssettag $0x1  }
0x1: {  	s6 =	rddreg [dreg:$0x0]  }
0x2: {  	s0 =	rddreg [dreg:$0x1]  }
0x3: {  	s2 =	simm.s32 $0x0;
	s3 =	srdreg.scid;
	s1 =	stileid.u32  }
0x4: {  	s10 =	simm.s32 $0x4300;
	s11 =	simm.s32 $0x0;
	[smem:$0x7FF] =	sst s2  }
0x5: {  	s5 =	sand.u32 $0x1, s3;
	s3 =	sadd.s32 $0x100000, s6;
	s8 =	sshll.u32 s1, $0x1  }
0x6: {  	s4 =	sadd.s32 $0x1FA000, s6;
	s7 =	ssub.s32 $0x2, s5;
	s8 =	sor.u32 s5, s8  }
0x7: {  	s9 =	sshrl.u32 s7, $0x1;
	s5 =	sshll.u32 s8, $0x8;
	s8 =	sshll.u32 s8, $0x4  }
0x8: {  	v0 =	vimm.f32 $0.0e+00;
	vm1 =	vcmask $0x1F00;
	_ =	strace $0x80000047;
	s7 =	ssub.s32 s7, s9;
	s6 =	sadd.s32 s6, s8  }
0x9: {  	v1 =	vimm.s32 $0x0;
	vm0 =	vmmov $0xff;
	v2 =	vsel vm1, $0x3F800000, v0;
	s8 =	simm.s32 $0x1;
	s9 =	simm.s32 $0x3F00;
	s7 =	smax.u32 s7, $0x1  }
.LBB2_1:
0xa: {  	s12 =	simm.s32 $0x0  }
.LBB2_2:
0xb: {  	p0 =	sne.s32 s12, $0xFC0  }
.Ltmp0:
0xc: {  	_ = 	snop;
	(pc) =	sbr.rel @p0 .LBB2_2-.Ltmp0, $3  }
0xd: {  	_ =	sdelay $0x1  }
0xe: {  	s13 =	sshra.s32 s12, $0x2  }
0xf: {  	s12 =	sadd.s32 $0x40, s12;
	[tilespmem:s13+$0x3F00] =	vst v1  }
0x10: {  	s12 =	simm.s32 $0x0;
	v4 =	vimm.f32 $0.0e+00;
	v3 =	vimm.f32 $0.0e+00;
	v5 =	vimm.f32 $0.0e+00;
	s13 =	simm.s32 $0x0  }
.LBB2_4:
0x11: {  	s14 =	sshll.u32 s13, $0x3  }
0x12: {  	s15 =	sadd.s32 s5, s14  }
0x13: {  	s14 =	smul.u32 $0x7D, s15;
	_ =	sdelay $0x1  }
0x14: {  	s16 =	sadd.s32 s3, s14  }
0x15: {  	[tilespmem:s12], [sflag:$0x1] =	stream.linear.gather [hbm4b:s16+s12], $0x1F40, $0x38;
	[tilespmem:$0x4380] =	vst v63  }
0x16: {  	_ =	swait.ge [sflag:s8], $0x1F40  }
0x17: {  	[sflag:s8] =	ssyncset.done $0x0  }
0x18: {  	s31 =	sadd.s32 s4, s14;
	s14 =	simm.s32 $0x1F80;
	[sflag:s8] =	ssyncadd.s32 $0xFFFFE0C0  }
0x19: {  	[tilespmem:s14], [sflag:$0x1] =	stream.linear.gather [hbm4b:s31+s12], $0x1F40, $0x38;
	[tilespmem:$0x4380] =	vst v63  }
0x1a: {  	_ =	swait.ge [sflag:s8], $0x1F40  }
0x1b: {  	s17 =	simm.s32 $0x0;
	[sflag:s8] =	ssyncset.done $0x0  }
0x1c: {  	s15 =	sor.u32 $0x1, s15;
	s16 =	simm.s32 $0x0;
	[sflag:s8] =	ssyncadd.s32 $0xFFFFE0C0  }
.LBB2_5:
0x1d: {  	v7 =	vmov s16;
	_ =	sdelay $0x2  }
0x1e: {  	s19 =	sadd.s32 s17, s15  }
0x1f: {  	s18 =	smul.u32 $0x3E8, s17;
	s20 =	simm.s32 $0x0;
	v6 =	vmov s19;
	s19 =	simm.s32 $0x40  }
.LBB2_6:
0x20: {  	p0 =	sne.s32 s19, $0xF40;
	v8 =	vld.idx.msk [tilespmem:v7+s20+$0x0 ss:$0x1], $0xffff;
	_ =	sdelay $0x3  }
.Ltmp1:
0x21: {  	(pc) =	sbr.rel @p0 .LBB2_6-.Ltmp1, $2  }
0x22: {  	_ =	sdelay $0x2  }
0x23: {  	s20 =	sshra.s32 s19, $0x2;
	s19 =	sadd.s32 $0x40, s19;
	[tilespmem:v8+s9+$0x0] =	vst.idx.msk $0xffff, v6  }
0x24: {  	_ =	sdelay $0x3  }
0x25: {  	v7 =	vld.idx.msk [tilespmem:v7+s20+$0x0 ss:$0x1], $0xffff;
	_ =	sdelay $0x7  }
0x26: {  	[tilespmem:v7+s9+$0x0] =	vst.idx.msk $0xffff, v6  }
0x27: {  	v7 =	vld [tilespmem:s18+$0x3E0];
	_ =	sdelay $0x4  }
0x28: {  	v8 =	vmov s14;
	_ =	sdelay $0x2  }
0x29: {  	s31 =	simm.s32 $0x0;
	[tilespmem:v7+s9+$0x0] =	vst.idx.msk $0xff, v6  }
0x2a: {  	v9 =	vld [tilespmem:s31+$0x3F00]  }
0x2b: {  	s19 =	simm.s32 $0x40;
	s18 =	sadd.s32 $0x3E0, s18;
	v7 =	vld.idx.msk [tilespmem:v8+s31+$0x0 ss:$0x1], $0xffff  }
.LBB2_8:
0x2c: {  	p0 =	sne.s32 s19, $0xF40  }
.Ltmp2:
0x2d: {  	_ = 	snop;
	(pc) =	sbr.rel @p0 .LBB2_8-.Ltmp2, $4  }
0x2e: {  	_ = 	snop  }
0x2f: {  	s20 =	sshra.s32 s19, $0x2;
	vm1 =	veq.s32 v9, v6  }
0x30: {  	v9 =	vld [tilespmem:s20+$0x3F00];
	v4 =	vadd.f32 v7, v4;
	v10 =	vsel vm1, $0x3F800000, v0;
	v11 =	vnsel vm1, $0x0, v7  }
0x31: {  	s19 =	sadd.s32 $0x40, s19;
	v7 =	vld.idx.msk [tilespmem:v8+s20+$0x0 ss:$0x1], $0xffff;
	v5 =	vadd.f32 v10, v5;
	v3 =	vadd.f32 v11, v3  }
0x32: {  	v8 =	vld [tilespmem:$0x42E0]  }
0x33: {  	v10 =	vld [tilespmem:s18+$0x1F80]  }
0x34: {  	s17 =	sadd.s32 $0x1, s17  }
0x35: {  	p0 =	sne.s32 s17, $0x8;
	vm1 =	veq.s32 v9, v6  }
.Ltmp3:
0x36: {  	v9 =	vsel vm1, $0x3F800000, v0;
	v4 =	vadd.f32 v7, v4;
	(pc) =	sbr.rel @p0 .LBB2_5-.Ltmp3, $4  }
0x37: {  	v7 =	vnsel vm1, $0x0, v7;
	v5 =	vadd.f32 v9, v5;
	vm1 =	veq.s32 v8, v6  }
0x38: {  	v3 =	vadd.f32 v7, v3;
	v6 =	vnsel vm0, $0x0, v10;
	v7 =	vnsel vm1, $0x0, v2  }
0x39: {  	v5 =	vadd.f32 v7, v5;
	v7 =	vnsel vm1, $0x0, v6  }
0x3a: {  	s16 =	sadd.s32 $0x3E8, s16;
	s14 =	sadd.s32 $0x3E8, s14;
	v4 =	vadd.f32 v6, v4;
	v3 =	vadd.f32 v7, v3  }
0x3b: {  	s13 =	sadd.s32 $0x1, s13  }
0x3c: {  	p0 =	sne.s32 s13, $0x20  }
.Ltmp4:
0x3d: {  	_ = 	snop;
	(pc) =	sbr.rel @p0 .LBB2_4-.Ltmp4, $1  }
0x3e: {  	_ =	sdelay $0x3  }
0x3f: {  	[tilespmem:$0x4300] =	vst v5;
	s11 =	sadd.s32 $0x1, s11  }
0x40: {  	[tilespmem:$0x4310] =	vst v3;
	p0 =	sne.s32 s11, s7  }
.Ltmp5:
0x41: {  	[tilespmem:$0x4320] =	vst v4;
	(pc) =	sbr.rel @p0 .LBB2_1-.Ltmp5, $4  }
0x42: {  	[hbm4b:s6+s2] =	stream.linear.scatter [tilespmem:s10], [sflag:$0x1], $0x80, $0x38;
	[tilespmem:$0x4380] =	vst v63  }
0x43: {  	_ =	swait.ge [sflag:s8], $0x80  }
0x44: {  	[sflag:s8] =	ssyncset.done $0x0  }
0x45: {  	[sflag:s8] =	ssyncadd.s32 $0xFFFFFF80  }
0x46: {  	_ =	sfence.sel $0x180000  }
0x47: {  	[bflag:$0x0] =	sbarrier.arrive $0xFFFF  }
0x48: {  	p0 =	sne.s32 s1, $0x0;
	_ =	strace $0x90000047  }
0x49: {  	s0 =	sadd.s32 @!p0 $0x100000, s0;
	[bflag:$0x2] =	sbarrier.arrive $0xFFFF  }
0x4a: {  	[sflag:s0] =	ssyncadd.tile.s32 @!p0 $0x1;
	_ =	shalt  }
.Lfunc_end2:
_tile_overlayer_lowered:
.L_overlay_start_2:
0x4b: {  	(tag) =	ssettag $0x2  }
0x4c: {  	s0 =	rddreg [dreg:$0x0];
	s2 =	stileid.u32  }
0x4d: {  	s1 =	rddreg [dreg:$0x1];
	p0 =	sne.s32 s2, $0x0  }
0x4e: {  	s3 =	rddreg [dreg:$0x2];
	[bflag:$0x3] =	sbarrier.arrive $0xFFFF;
	s2 =	simm.s32 @!p0 $0x1C01  }
0x4f: {  	[timem:s3], [sflag:s2] =	dma.local @!p0 [hbm:s0], s1  }
0x50: {  	s0 =	simm.s32 @!p0 $0x1  }
0x51: {  	_ =	swait.ge @!p0 [sflag:s0], s1  }
0x52: {  	s1 =	ssub.s32 @!p0 $0x0, s1;
	[sflag:s0] =	ssyncset.done @!p0 $0x0  }
0x53: {  	[sflag:s0] =	ssyncadd.s32 @!p0 s1  }
0x54: {  	[bflag:$0x3] =	sbarrier.arrive $0xFFFF  }
0x55: {  	_ =	shalt  }

</sc_bundles>
